<compile_context>
chip_gen: v7x
topology: tpu7x:2x2x1
jax: 0.10.2.dev20260603
libtpu: 0.0.44.dev20260713+nightly
codegen_flags: <defaults>
</compile_context>

<pallas_src>
import functools

import jax
import jax.numpy as jnp
from jax import lax
from jax.experimental import pallas as pl
from jax.experimental.pallas import tpu as pltpu
from jax.experimental.pallas import tpu_sc as plsc

_FACT = 128
_HIDDEN = 2048
_CHUNK = 64
_N_WORKERS = 32


def _sc_gather(table, ids, n_chunks):
    info = plsc.get_sparse_core_info()
    nc = info.num_cores
    b_per_w = n_chunks * _CHUNK
    total = _N_WORKERS * b_per_w
    seq = ids.shape[1]
    per_row = seq // b_per_w
    mesh = plsc.VectorSubcoreMesh(core_axis_name="c", subcore_axis_name="s")

    @functools.partial(
        pl.kernel,
        mesh=mesh,
        out_type=jax.ShapeDtypeStruct((total, _FACT), jnp.float32),
        scratch_types=[
            pltpu.VMEM((b_per_w,), jnp.int32),
            pltpu.VMEM((b_per_w, _FACT), jnp.float32),
            pltpu.SemaphoreType.DMA,
            pltpu.SemaphoreType.DMA,
        ],
    )
    def gather_kernel(table_hbm, ids_hbm, out_hbm, idx_v, rows_v, gsem, osem):
        wid = lax.axis_index("s") * nc + lax.axis_index("c")
        row = wid // per_row
        col0 = (wid % per_row) * b_per_w
        pltpu.sync_copy(ids_hbm.at[row, pl.ds(col0, b_per_w)], idx_v)
        gathers = []
        for j in range(n_chunks):
            gathers.append(
                pltpu.async_copy(
                    table_hbm.at[idx_v.at[pl.ds(j * _CHUNK, _CHUNK)]],
                    rows_v.at[pl.ds(j * _CHUNK, _CHUNK)],
                    gsem,
                )
            )
        base = wid * b_per_w
        outs = []
        for j in range(n_chunks):
            gathers[j].wait()
            outs.append(
                pltpu.async_copy(
                    rows_v.at[pl.ds(j * _CHUNK, _CHUNK)],
                    out_hbm.at[pl.ds(base + j * _CHUNK, _CHUNK)],
                    osem,
                )
            )
        for o in outs:
            o.wait()

    return gather_kernel(table, ids)


def _tc_project(x, w, m_blk):
    m = x.shape[0]

    def mm(x_ref, w_ref, o_ref):
        o_ref[...] = lax.dot_general(
            x_ref[...].astype(jnp.bfloat16),
            w_ref[...],
            (((1,), (1,)), ((), ())),
            preferred_element_type=jnp.float32,
        )

    return pl.pallas_call(
        mm,
        grid=(m // m_blk,),
        in_specs=[
            pl.BlockSpec((m_blk, _FACT), lambda i: (i, 0)),
            pl.BlockSpec((_HIDDEN, _FACT), lambda i: (0, 0)),
        ],
        out_specs=pl.BlockSpec((m_blk, _HIDDEN), lambda i: (i, 0)),
        out_shape=jax.ShapeDtypeStruct((m, _HIDDEN), jnp.float32),
        compiler_params=pltpu.CompilerParams(
            dimension_semantics=("parallel",),
        ),
    )(x, w.astype(jnp.bfloat16))


def kernel(input_ids, embed_weight, proj_weight):
    b, s = input_ids.shape
    total = b * s
    n_chunks = total // (_N_WORKERS * _CHUNK)
    x = _sc_gather(embed_weight, input_ids.astype(jnp.int32), n_chunks)
    y = _tc_project(x, proj_weight, m_blk=1024)
    return y.reshape(b, s, _HIDDEN)

# --- scband reference (transcript-rebuilt; emitter-appended) ---
"""Pipeline reference for scband-optimized-fp8-embedding-17420387352695 (READ-ONLY COPY).

The authoritative reference and input builder live on the scoring server;
editing this copy changes nothing except your own understanding.
"""

import jax, jax.numpy as jnp
import numpy as np
import math

VOCAB = 1000000
HIDDEN = 2048
FACT = 128

def setup_inputs(seed: int = 0) -> dict:
    key = jax.random.key(seed)
    k1, k2, k3 = jax.random.split(key, 3)
    input_ids = jax.random.randint(k1, (4, 2048), 0, VOCAB, dtype=jnp.int64 if jax.config.read('jax_enable_x64') else jnp.int32)
    scale = math.log(max(2, VOCAB / 50257))
    embed_weight = jax.random.normal(k2, (VOCAB, FACT), dtype=jnp.float32) * (1.0 / math.sqrt(FACT * scale))
    proj_weight = jax.random.normal(k3, (HIDDEN, FACT), dtype=jnp.float32) * math.sqrt(2.0 / FACT)
    return {"input_ids": input_ids, "embed_weight": embed_weight, "proj_weight": proj_weight}

def reference(input_ids, embed_weight, proj_weight):
    # embedding gather (bf16 in original; float32 here for numerical reference)
    x = jnp.take(embed_weight, input_ids, axis=0)  # [B, S, FACT]
    # nn.Linear without bias: y = x @ W^T
    y = jnp.einsum('bsf,hf->bsh', x, proj_weight)
    return y

if __name__ == "__main__":
    import jax
    _d = setup_inputs()
    print(jax.jit(kernel)(*tuple(_d.values())))

</pallas_src>

<mosaic_0001>
#map = affine_map<(d0, d1) -> (0, 0)>
module attributes {stable_mosaic.version = 14 : i64} {
  func.func @gather_kernel(%arg0: i32, %arg1: i32, %arg2: memref<1000000x128xf32, #tpu.memory_space<hbm>>, %arg3: memref<4x2048xi32, #tpu.memory_space<hbm>>, %arg4: memref<8192x128xf32, #tpu.memory_space<hbm>>, %arg5: memref<256xi32, #tpu.memory_space<vmem>>, %arg6: memref<256x128xf32, #tpu.memory_space<vmem>>, %arg7: memref<!tpu.dma_semaphore, #tpu.memory_space<semaphore_mem>>, %arg8: memref<!tpu.dma_semaphore, #tpu.memory_space<semaphore_mem>>) attributes {dimension_semantics = [#tpu.dimension_semantics<core_parallel>, #tpu.dimension_semantics<subcore_parallel>], iteration_bounds = array<i64: 2, 16>, scalar_prefetch = 0 : i64, scratch_operands = 4 : i64, tpu.core_type = #tpu.core_type<sc_vector_subcore>, window_params = [{transform_indices = #map}, {transform_indices = #map}, {transform_indices = #map}]} {
    %mul3A = arith.constant 2 : i32
    %mul3A_0 = arith.muli %arg1, %mul3A : i32
    %add3A = arith.addi %mul3A_0, %arg0 : i32
    %jit3A = arith.constant 8 : i32
    %div3A = arith.divsi %add3A, %jit3A : i32
    %sign3A = arith.constant 0 : i32
    %sign3A_1 = arith.cmpi sgt, %add3A, %sign3A : i32
    %sign3A_2 = arith.extui %sign3A_1 : i1 to i32
    %sign3A_3 = arith.constant 0 : i32
    %sign3A_4 = arith.cmpi slt, %add3A, %sign3A_3 : i32
    %sign3A_5 = arith.extui %sign3A_4 : i1 to i32
    %sign3A_6 = arith.subi %sign3A_2, %sign3A_5 : i32
    %sign3A_7 = arith.constant 0 : i32
    %sign3A_8 = arith.cmpi sgt, %jit3A, %sign3A_7 : i32
    %sign3A_9 = arith.extui %sign3A_8 : i1 to i32
    %sign3A_10 = arith.constant 0 : i32
    %sign3A_11 = arith.cmpi slt, %jit3A, %sign3A_10 : i32
    %sign3A_12 = arith.extui %sign3A_11 : i1 to i32
    %sign3A_13 = arith.subi %sign3A_9, %sign3A_12 : i32
    %ne3A = arith.cmpi ne, %sign3A_6, %sign3A_13 : i32
    %rem3A = arith.remsi %add3A, %jit3A : i32
    %ne3A_14 = arith.constant 0 : i32
    %ne3A_15 = arith.cmpi ne, %rem3A, %ne3A_14 : i32
    %and3A = arith.andi %ne3A, %ne3A_15 : i1
    %sub3A = arith.constant 1 : i32
    %sub3A_16 = arith.subi %div3A, %sub3A : i32
    %select_n3A = arith.select %and3A, %sub3A_16, %div3A : i32
    %jit3A_17 = arith.constant 8 : i32
    %eq3A = arith.constant 0 : i32
    %eq3A_18 = arith.cmpi eq, %jit3A_17, %eq3A : i32
    %jit3A_19 = arith.constant 1 : i32
    %select_n3A_20 = arith.select %eq3A_18, %jit3A_19, %jit3A_17 : i32
    %rem3A_21 = arith.remsi %add3A, %select_n3A_20 : i32
    %ne3A_22 = arith.constant 0 : i32
    %ne3A_23 = arith.cmpi ne, %rem3A_21, %ne3A_22 : i32
    %lt3A = arith.constant 0 : i32
    %lt3A_24 = arith.cmpi slt, %rem3A_21, %lt3A : i32
    %lt3A_25 = arith.constant 0 : i32
    %lt3A_26 = arith.cmpi slt, %select_n3A_20, %lt3A_25 : i32
    %ne3A_27 = arith.xori %lt3A_24, %lt3A_26 : i1
    %and3A_28 = arith.andi %ne3A_27, %ne3A_23 : i1
    %add3A_29 = arith.addi %rem3A_21, %select_n3A_20 : i32
    %select_n3A_30 = arith.select %and3A_28, %add3A_29, %rem3A_21 : i32
    %mul3A_31 = arith.constant 256 : i32
    %mul3A_32 = arith.muli %select_n3A_30, %mul3A_31 : i32
    "tpu.region"() ({
      %run_scoped3A = tpu.sem_alloc : memref<!tpu.dma_semaphore, #tpu.memory_space<semaphore_mem>>
      %dma_start3A_185 = tpu.memref_slice %arg3[%select_n3A, %mul3A_32] : memref<4x2048xi32, #tpu.memory_space<hbm>> -> memref<1x256xi32, #tpu.memory_space<hbm>>
      %dma_start3A_186 = tpu.memref_squeeze %dma_start3A_185 : memref<1x256xi32, #tpu.memory_space<hbm>> -> memref<256xi32, #tpu.memory_space<hbm>>
      %dma_start3A_187 = tpu.memref_slice %arg3[%select_n3A, %mul3A_32] : memref<4x2048xi32, #tpu.memory_space<hbm>> -> memref<1x256xi32, #tpu.memory_space<hbm>>
      %dma_start3A_188 = tpu.memref_squeeze %dma_start3A_187 : memref<1x256xi32, #tpu.memory_space<hbm>> -> memref<256xi32, #tpu.memory_space<hbm>>
      tpu.enqueue_dma source(%dma_start3A_188 : memref<256xi32, #tpu.memory_space<hbm>>) target(%arg5 : memref<256xi32, #tpu.memory_space<vmem>>) target_semaphore(%run_scoped3A : memref<!tpu.dma_semaphore, #tpu.memory_space<semaphore_mem>>)
      %dma_wait3A_189 = tpu.memref_slice %arg3[%select_n3A, %mul3A_32] : memref<4x2048xi32, #tpu.memory_space<hbm>> -> memref<1x256xi32, #tpu.memory_space<hbm>>
      %dma_wait3A_190 = tpu.memref_squeeze %dma_wait3A_189 : memref<1x256xi32, #tpu.memory_space<hbm>> -> memref<256xi32, #tpu.memory_space<hbm>>
      %dma_wait3A_191 = tpu.memref_slice %arg3[%select_n3A, %mul3A_32] : memref<4x2048xi32, #tpu.memory_space<hbm>> -> memref<1x256xi32, #tpu.memory_space<hbm>>
      %dma_wait3A_192 = tpu.memref_squeeze %dma_wait3A_191 : memref<1x256xi32, #tpu.memory_space<hbm>> -> memref<256xi32, #tpu.memory_space<hbm>>
      tpu.wait_dma2 semaphore(%run_scoped3A : memref<!tpu.dma_semaphore, #tpu.memory_space<semaphore_mem>>) src(%dma_wait3A_192 : memref<256xi32, #tpu.memory_space<hbm>>) dst(%arg5 : memref<256xi32, #tpu.memory_space<vmem>>)
      tpu.yield
    }) : () -> ()
    %dma_start3A = arith.constant 0 : i32
    %dma_start3A_33 = arith.constant 0 : i32
    %dma_start3A_34 = tpu.memref_slice %arg6[%dma_start3A, %dma_start3A_33] : memref<256x128xf32, #tpu.memory_space<vmem>> -> memref<64x128xf32, #tpu.memory_space<vmem>>
    %dma_start3A_35 = arith.constant 0 : i32
    %dma_start3A_36 = tpu.memref_slice %arg5[%dma_start3A_35] : memref<256xi32, #tpu.memory_space<vmem>> -> memref<64xi32, #tpu.memory_space<vmem>>
    %dma_start3A_37 = arith.constant 0 : i32
    %dma_start3A_38 = arith.constant 0 : i32
    %dma_start3A_39 = tpu.memref_slice %arg2[%dma_start3A_37, %dma_start3A_38] : memref<1000000x128xf32, #tpu.memory_space<hbm>> -> memref<1000000x128xf32, #tpu.memory_space<hbm>>
    tpu.enqueue_indirect_dma source(%dma_start3A_39 : memref<1000000x128xf32, #tpu.memory_space<hbm>>) target(%dma_start3A_34 : memref<64x128xf32, #tpu.memory_space<vmem>>) offsets(%dma_start3A_36 : memref<64xi32, #tpu.memory_space<vmem>>) semaphore(%arg7 : memref<!tpu.dma_semaphore, #tpu.memory_space<semaphore_mem>>)
    %dma_start3A_40 = arith.constant 64 : i32
    %dma_start3A_41 = arith.constant 0 : i32
    %dma_start3A_42 = tpu.memref_slice %arg6[%dma_start3A_40, %dma_start3A_41] : memref<256x128xf32, #tpu.memory_space<vmem>> -> memref<64x128xf32, #tpu.memory_space<vmem>>
    %dma_start3A_43 = arith.constant 64 : i32
    %dma_start3A_44 = tpu.memref_slice %arg5[%dma_start3A_43] : memref<256xi32, #tpu.memory_space<vmem>> -> memref<64xi32, #tpu.memory_space<vmem>>
    %dma_start3A_45 = arith.constant 0 : i32
    %dma_start3A_46 = arith.constant 0 : i32
    %dma_start3A_47 = tpu.memref_slice %arg2[%dma_start3A_45, %dma_start3A_46] : memref<1000000x128xf32, #tpu.memory_space<hbm>> -> memref<1000000x128xf32, #tpu.memory_space<hbm>>
    tpu.enqueue_indirect_dma source(%dma_start3A_47 : memref<1000000x128xf32, #tpu.memory_space<hbm>>) target(%dma_start3A_42 : memref<64x128xf32, #tpu.memory_space<vmem>>) offsets(%dma_start3A_44 : memref<64xi32, #tpu.memory_space<vmem>>) semaphore(%arg7 : memref<!tpu.dma_semaphore, #tpu.memory_space<semaphore_mem>>)
    %dma_start3A_48 = arith.constant 128 : i32
    %dma_start3A_49 = arith.constant 0 : i32
    %dma_start3A_50 = tpu.memref_slice %arg6[%dma_start3A_48, %dma_start3A_49] : memref<256x128xf32, #tpu.memory_space<vmem>> -> memref<64x128xf32, #tpu.memory_space<vmem>>
    %dma_start3A_51 = arith.constant 128 : i32
    %dma_start3A_52 = tpu.memref_slice %arg5[%dma_start3A_51] : memref<256xi32, #tpu.memory_space<vmem>> -> memref<64xi32, #tpu.memory_space<vmem>>
    %dma_start3A_53 = arith.constant 0 : i32
    %dma_start3A_54 = arith.constant 0 : i32
    %dma_start3A_55 = tpu.memref_slice %arg2[%dma_start3A_53, %dma_start3A_54] : memref<1000000x128xf32, #tpu.memory_space<hbm>> -> memref<1000000x128xf32, #tpu.memory_space<hbm>>
    tpu.enqueue_indirect_dma source(%dma_start3A_55 : memref<1000000x128xf32, #tpu.memory_space<hbm>>) target(%dma_start3A_50 : memref<64x128xf32, #tpu.memory_space<vmem>>) offsets(%dma_start3A_52 : memref<64xi32, #tpu.memory_space<vmem>>) semaphore(%arg7 : memref<!tpu.dma_semaphore, #tpu.memory_space<semaphore_mem>>)
    %dma_start3A_56 = arith.constant 192 : i32
    %dma_start3A_57 = arith.constant 0 : i32
    %dma_start3A_58 = tpu.memref_slice %arg6[%dma_start3A_56, %dma_start3A_57] : memref<256x128xf32, #tpu.memory_space<vmem>> -> memref<64x128xf32, #tpu.memory_space<vmem>>
    %dma_start3A_59 = arith.constant 192 : i32
    %dma_start3A_60 = tpu.memref_slice %arg5[%dma_start3A_59] : memref<256xi32, #tpu.memory_space<vmem>> -> memref<64xi32, #tpu.memory_space<vmem>>
    %dma_start3A_61 = arith.constant 0 : i32
    %dma_start3A_62 = arith.constant 0 : i32
    %dma_start3A_63 = tpu.memref_slice %arg2[%dma_start3A_61, %dma_start3A_62] : memref<1000000x128xf32, #tpu.memory_space<hbm>> -> memref<1000000x128xf32, #tpu.memory_space<hbm>>
    tpu.enqueue_indirect_dma source(%dma_start3A_63 : memref<1000000x128xf32, #tpu.memory_space<hbm>>) target(%dma_start3A_58 : memref<64x128xf32, #tpu.memory_space<vmem>>) offsets(%dma_start3A_60 : memref<64xi32, #tpu.memory_space<vmem>>) semaphore(%arg7 : memref<!tpu.dma_semaphore, #tpu.memory_space<semaphore_mem>>)
    %mul3A_64 = arith.constant 256 : i32
    %mul3A_65 = arith.muli %add3A, %mul3A_64 : i32
    %dma_wait3A = arith.constant 0 : i32
    %dma_wait3A_66 = arith.constant 0 : i32
    %dma_wait3A_67 = tpu.memref_slice %arg6[%dma_wait3A, %dma_wait3A_66] : memref<256x128xf32, #tpu.memory_space<vmem>> -> memref<64x128xf32, #tpu.memory_space<vmem>>
    %dma_wait3A_68 = arith.constant 0 : i32
    %dma_wait3A_69 = tpu.memref_slice %arg5[%dma_wait3A_68] : memref<256xi32, #tpu.memory_space<vmem>> -> memref<64xi32, #tpu.memory_space<vmem>>
    %dma_wait3A_70 = arith.constant 0 : i32
    %dma_wait3A_71 = arith.constant 0 : i32
    %dma_wait3A_72 = tpu.memref_slice %arg2[%dma_wait3A_70, %dma_wait3A_71] : memref<1000000x128xf32, #tpu.memory_space<hbm>> -> memref<1000000x128xf32, #tpu.memory_space<hbm>>
    tpu.wait_indirect_dma semaphore(%arg7 : memref<!tpu.dma_semaphore, #tpu.memory_space<semaphore_mem>>) src(%dma_wait3A_72 : memref<1000000x128xf32, #tpu.memory_space<hbm>>) dst(%dma_wait3A_67 : memref<64x128xf32, #tpu.memory_space<vmem>>)
    %add3A_73 = arith.constant 0 : i32
    %add3A_74 = arith.addi %mul3A_65, %add3A_73 : i32
    %dma_start3A_75 = arith.constant 0 : i32
    %dma_start3A_76 = arith.constant 0 : i32
    %dma_start3A_77 = tpu.memref_slice %arg6[%dma_start3A_75, %dma_start3A_76] : memref<256x128xf32, #tpu.memory_space<vmem>> -> memref<64x128xf32, #tpu.memory_space<vmem>>
    %dma_start3A_78 = arith.constant 0 : i32
    %dma_start3A_79 = tpu.memref_slice %arg4[%add3A_74, %dma_start3A_78] : memref<8192x128xf32, #tpu.memory_space<hbm>> -> memref<64x128xf32, #tpu.memory_space<hbm>>
    %dma_start3A_80 = arith.constant 0 : i32
    %dma_start3A_81 = tpu.memref_slice %arg4[%add3A_74, %dma_start3A_80] : memref<8192x128xf32, #tpu.memory_space<hbm>> -> memref<64x128xf32, #tpu.memory_space<hbm>>
    %dma_start3A_82 = arith.constant 0 : i32
    %dma_start3A_83 = arith.constant 0 : i32
    %dma_start3A_84 = tpu.memref_slice %arg6[%dma_start3A_82, %dma_start3A_83] : memref<256x128xf32, #tpu.memory_space<vmem>> -> memref<64x128xf32, #tpu.memory_space<vmem>>
    tpu.enqueue_dma source(%dma_start3A_84 : memref<64x128xf32, #tpu.memory_space<vmem>>) target(%dma_start3A_81 : memref<64x128xf32, #tpu.memory_space<hbm>>) target_semaphore(%arg8 : memref<!tpu.dma_semaphore, #tpu.memory_space<semaphore_mem>>)
    %dma_wait3A_85 = arith.constant 64 : i32
    %dma_wait3A_86 = arith.constant 0 : i32
    %dma_wait3A_87 = tpu.memref_slice %arg6[%dma_wait3A_85, %dma_wait3A_86] : memref<256x128xf32, #tpu.memory_space<vmem>> -> memref<64x128xf32, #tpu.memory_space<vmem>>
    %dma_wait3A_88 = arith.constant 64 : i32
    %dma_wait3A_89 = tpu.memref_slice %arg5[%dma_wait3A_88] : memref<256xi32, #tpu.memory_space<vmem>> -> memref<64xi32, #tpu.memory_space<vmem>>
    %dma_wait3A_90 = arith.constant 0 : i32
    %dma_wait3A_91 = arith.constant 0 : i32
    %dma_wait3A_92 = tpu.memref_slice %arg2[%dma_wait3A_90, %dma_wait3A_91] : memref<1000000x128xf32, #tpu.memory_space<hbm>> -> memref<1000000x128xf32, #tpu.memory_space<hbm>>
    tpu.wait_indirect_dma semaphore(%arg7 : memref<!tpu.dma_semaphore, #tpu.memory_space<semaphore_mem>>) src(%dma_wait3A_92 : memref<1000000x128xf32, #tpu.memory_space<hbm>>) dst(%dma_wait3A_87 : memref<64x128xf32, #tpu.memory_space<vmem>>)
    %add3A_93 = arith.constant 64 : i32
    %add3A_94 = arith.addi %mul3A_65, %add3A_93 : i32
    %dma_start3A_95 = arith.constant 64 : i32
    %dma_start3A_96 = arith.constant 0 : i32
    %dma_start3A_97 = tpu.memref_slice %arg6[%dma_start3A_95, %dma_start3A_96] : memref<256x128xf32, #tpu.memory_space<vmem>> -> memref<64x128xf32, #tpu.memory_space<vmem>>
    %dma_start3A_98 = arith.constant 0 : i32
    %dma_start3A_99 = tpu.memref_slice %arg4[%add3A_94, %dma_start3A_98] : memref<8192x128xf32, #tpu.memory_space<hbm>> -> memref<64x128xf32, #tpu.memory_space<hbm>>
    %dma_start3A_100 = arith.constant 0 : i32
    %dma_start3A_101 = tpu.memref_slice %arg4[%add3A_94, %dma_start3A_100] : memref<8192x128xf32, #tpu.memory_space<hbm>> -> memref<64x128xf32, #tpu.memory_space<hbm>>
    %dma_start3A_102 = arith.constant 64 : i32
    %dma_start3A_103 = arith.constant 0 : i32
    %dma_start3A_104 = tpu.memref_slice %arg6[%dma_start3A_102, %dma_start3A_103] : memref<256x128xf32, #tpu.memory_space<vmem>> -> memref<64x128xf32, #tpu.memory_space<vmem>>
    tpu.enqueue_dma source(%dma_start3A_104 : memref<64x128xf32, #tpu.memory_space<vmem>>) target(%dma_start3A_101 : memref<64x128xf32, #tpu.memory_space<hbm>>) target_semaphore(%arg8 : memref<!tpu.dma_semaphore, #tpu.memory_space<semaphore_mem>>)
    %dma_wait3A_105 = arith.constant 128 : i32
    %dma_wait3A_106 = arith.constant 0 : i32
    %dma_wait3A_107 = tpu.memref_slice %arg6[%dma_wait3A_105, %dma_wait3A_106] : memref<256x128xf32, #tpu.memory_space<vmem>> -> memref<64x128xf32, #tpu.memory_space<vmem>>
    %dma_wait3A_108 = arith.constant 128 : i32
    %dma_wait3A_109 = tpu.memref_slice %arg5[%dma_wait3A_108] : memref<256xi32, #tpu.memory_space<vmem>> -> memref<64xi32, #tpu.memory_space<vmem>>
    %dma_wait3A_110 = arith.constant 0 : i32
    %dma_wait3A_111 = arith.constant 0 : i32
    %dma_wait3A_112 = tpu.memref_slice %arg2[%dma_wait3A_110, %dma_wait3A_111] : memref<1000000x128xf32, #tpu.memory_space<hbm>> -> memref<1000000x128xf32, #tpu.memory_space<hbm>>
    tpu.wait_indirect_dma semaphore(%arg7 : memref<!tpu.dma_semaphore, #tpu.memory_space<semaphore_mem>>) src(%dma_wait3A_112 : memref<1000000x128xf32, #tpu.memory_space<hbm>>) dst(%dma_wait3A_107 : memref<64x128xf32, #tpu.memory_space<vmem>>)
    %add3A_113 = arith.constant 128 : i32
    %add3A_114 = arith.addi %mul3A_65, %add3A_113 : i32
    %dma_start3A_115 = arith.constant 128 : i32
    %dma_start3A_116 = arith.constant 0 : i32
    %dma_start3A_117 = tpu.memref_slice %arg6[%dma_start3A_115, %dma_start3A_116] : memref<256x128xf32, #tpu.memory_space<vmem>> -> memref<64x128xf32, #tpu.memory_space<vmem>>
    %dma_start3A_118 = arith.constant 0 : i32
    %dma_start3A_119 = tpu.memref_slice %arg4[%add3A_114, %dma_start3A_118] : memref<8192x128xf32, #tpu.memory_space<hbm>> -> memref<64x128xf32, #tpu.memory_space<hbm>>
    %dma_start3A_120 = arith.constant 0 : i32
    %dma_start3A_121 = tpu.memref_slice %arg4[%add3A_114, %dma_start3A_120] : memref<8192x128xf32, #tpu.memory_space<hbm>> -> memref<64x128xf32, #tpu.memory_space<hbm>>
    %dma_start3A_122 = arith.constant 128 : i32
    %dma_start3A_123 = arith.constant 0 : i32
    %dma_start3A_124 = tpu.memref_slice %arg6[%dma_start3A_122, %dma_start3A_123] : memref<256x128xf32, #tpu.memory_space<vmem>> -> memref<64x128xf32, #tpu.memory_space<vmem>>
    tpu.enqueue_dma source(%dma_start3A_124 : memref<64x128xf32, #tpu.memory_space<vmem>>) target(%dma_start3A_121 : memref<64x128xf32, #tpu.memory_space<hbm>>) target_semaphore(%arg8 : memref<!tpu.dma_semaphore, #tpu.memory_space<semaphore_mem>>)
    %dma_wait3A_125 = arith.constant 192 : i32
    %dma_wait3A_126 = arith.constant 0 : i32
    %dma_wait3A_127 = tpu.memref_slice %arg6[%dma_wait3A_125, %dma_wait3A_126] : memref<256x128xf32, #tpu.memory_space<vmem>> -> memref<64x128xf32, #tpu.memory_space<vmem>>
    %dma_wait3A_128 = arith.constant 192 : i32
    %dma_wait3A_129 = tpu.memref_slice %arg5[%dma_wait3A_128] : memref<256xi32, #tpu.memory_space<vmem>> -> memref<64xi32, #tpu.memory_space<vmem>>
    %dma_wait3A_130 = arith.constant 0 : i32
    %dma_wait3A_131 = arith.constant 0 : i32
    %dma_wait3A_132 = tpu.memref_slice %arg2[%dma_wait3A_130, %dma_wait3A_131] : memref<1000000x128xf32, #tpu.memory_space<hbm>> -> memref<1000000x128xf32, #tpu.memory_space<hbm>>
    tpu.wait_indirect_dma semaphore(%arg7 : memref<!tpu.dma_semaphore, #tpu.memory_space<semaphore_mem>>) src(%dma_wait3A_132 : memref<1000000x128xf32, #tpu.memory_space<hbm>>) dst(%dma_wait3A_127 : memref<64x128xf32, #tpu.memory_space<vmem>>)
    %add3A_133 = arith.constant 192 : i32
    %add3A_134 = arith.addi %mul3A_65, %add3A_133 : i32
    %dma_start3A_135 = arith.constant 192 : i32
    %dma_start3A_136 = arith.constant 0 : i32
    %dma_start3A_137 = tpu.memref_slice %arg6[%dma_start3A_135, %dma_start3A_136] : memref<256x128xf32, #tpu.memory_space<vmem>> -> memref<64x128xf32, #tpu.memory_space<vmem>>
    %dma_start3A_138 = arith.constant 0 : i32
    %dma_start3A_139 = tpu.memref_slice %arg4[%add3A_134, %dma_start3A_138] : memref<8192x128xf32, #tpu.memory_space<hbm>> -> memref<64x128xf32, #tpu.memory_space<hbm>>
    %dma_start3A_140 = arith.constant 0 : i32
    %dma_start3A_141 = tpu.memref_slice %arg4[%add3A_134, %dma_start3A_140] : memref<8192x128xf32, #tpu.memory_space<hbm>> -> memref<64x128xf32, #tpu.memory_space<hbm>>
    %dma_start3A_142 = arith.constant 192 : i32
    %dma_start3A_143 = arith.constant 0 : i32
    %dma_start3A_144 = tpu.memref_slice %arg6[%dma_start3A_142, %dma_start3A_143] : memref<256x128xf32, #tpu.memory_space<vmem>> -> memref<64x128xf32, #tpu.memory_space<vmem>>
    tpu.enqueue_dma source(%dma_start3A_144 : memref<64x128xf32, #tpu.memory_space<vmem>>) target(%dma_start3A_141 : memref<64x128xf32, #tpu.memory_space<hbm>>) target_semaphore(%arg8 : memref<!tpu.dma_semaphore, #tpu.memory_space<semaphore_mem>>)
    %dma_wait3A_145 = arith.constant 0 : i32
    %dma_wait3A_146 = arith.constant 0 : i32
    %dma_wait3A_147 = tpu.memref_slice %arg6[%dma_wait3A_145, %dma_wait3A_146] : memref<256x128xf32, #tpu.memory_space<vmem>> -> memref<64x128xf32, #tpu.memory_space<vmem>>
    %dma_wait3A_148 = arith.constant 0 : i32
    %dma_wait3A_149 = tpu.memref_slice %arg4[%add3A_74, %dma_wait3A_148] : memref<8192x128xf32, #tpu.memory_space<hbm>> -> memref<64x128xf32, #tpu.memory_space<hbm>>
    %dma_wait3A_150 = arith.constant 0 : i32
    %dma_wait3A_151 = tpu.memref_slice %arg4[%add3A_74, %dma_wait3A_150] : memref<8192x128xf32, #tpu.memory_space<hbm>> -> memref<64x128xf32, #tpu.memory_space<hbm>>
    %dma_wait3A_152 = arith.constant 0 : i32
    %dma_wait3A_153 = arith.constant 0 : i32
    %dma_wait3A_154 = tpu.memref_slice %arg6[%dma_wait3A_152, %dma_wait3A_153] : memref<256x128xf32, #tpu.memory_space<vmem>> -> memref<64x128xf32, #tpu.memory_space<vmem>>
    tpu.wait_dma2 semaphore(%arg8 : memref<!tpu.dma_semaphore, #tpu.memory_space<semaphore_mem>>) src(%dma_wait3A_154 : memref<64x128xf32, #tpu.memory_space<vmem>>) dst(%dma_wait3A_151 : memref<64x128xf32, #tpu.memory_space<hbm>>)
    %dma_wait3A_155 = arith.constant 64 : i32
    %dma_wait3A_156 = arith.constant 0 : i32
    %dma_wait3A_157 = tpu.memref_slice %arg6[%dma_wait3A_155, %dma_wait3A_156] : memref<256x128xf32, #tpu.memory_space<vmem>> -> memref<64x128xf32, #tpu.memory_space<vmem>>
    %dma_wait3A_158 = arith.constant 0 : i32
    %dma_wait3A_159 = tpu.memref_slice %arg4[%add3A_94, %dma_wait3A_158] : memref<8192x128xf32, #tpu.memory_space<hbm>> -> memref<64x128xf32, #tpu.memory_space<hbm>>
    %dma_wait3A_160 = arith.constant 0 : i32
    %dma_wait3A_161 = tpu.memref_slice %arg4[%add3A_94, %dma_wait3A_160] : memref<8192x128xf32, #tpu.memory_space<hbm>> -> memref<64x128xf32, #tpu.memory_space<hbm>>
    %dma_wait3A_162 = arith.constant 64 : i32
    %dma_wait3A_163 = arith.constant 0 : i32
    %dma_wait3A_164 = tpu.memref_slice %arg6[%dma_wait3A_162, %dma_wait3A_163] : memref<256x128xf32, #tpu.memory_space<vmem>> -> memref<64x128xf32, #tpu.memory_space<vmem>>
    tpu.wait_dma2 semaphore(%arg8 : memref<!tpu.dma_semaphore, #tpu.memory_space<semaphore_mem>>) src(%dma_wait3A_164 : memref<64x128xf32, #tpu.memory_space<vmem>>) dst(%dma_wait3A_161 : memref<64x128xf32, #tpu.memory_space<hbm>>)
    %dma_wait3A_165 = arith.constant 128 : i32
    %dma_wait3A_166 = arith.constant 0 : i32
    %dma_wait3A_167 = tpu.memref_slice %arg6[%dma_wait3A_165, %dma_wait3A_166] : memref<256x128xf32, #tpu.memory_space<vmem>> -> memref<64x128xf32, #tpu.memory_space<vmem>>
    %dma_wait3A_168 = arith.constant 0 : i32
    %dma_wait3A_169 = tpu.memref_slice %arg4[%add3A_114, %dma_wait3A_168] : memref<8192x128xf32, #tpu.memory_space<hbm>> -> memref<64x128xf32, #tpu.memory_space<hbm>>
    %dma_wait3A_170 = arith.constant 0 : i32
    %dma_wait3A_171 = tpu.memref_slice %arg4[%add3A_114, %dma_wait3A_170] : memref<8192x128xf32, #tpu.memory_space<hbm>> -> memref<64x128xf32, #tpu.memory_space<hbm>>
    %dma_wait3A_172 = arith.constant 128 : i32
    %dma_wait3A_173 = arith.constant 0 : i32
    %dma_wait3A_174 = tpu.memref_slice %arg6[%dma_wait3A_172, %dma_wait3A_173] : memref<256x128xf32, #tpu.memory_space<vmem>> -> memref<64x128xf32, #tpu.memory_space<vmem>>
    tpu.wait_dma2 semaphore(%arg8 : memref<!tpu.dma_semaphore, #tpu.memory_space<semaphore_mem>>) src(%dma_wait3A_174 : memref<64x128xf32, #tpu.memory_space<vmem>>) dst(%dma_wait3A_171 : memref<64x128xf32, #tpu.memory_space<hbm>>)
    %dma_wait3A_175 = arith.constant 192 : i32
    %dma_wait3A_176 = arith.constant 0 : i32
    %dma_wait3A_177 = tpu.memref_slice %arg6[%dma_wait3A_175, %dma_wait3A_176] : memref<256x128xf32, #tpu.memory_space<vmem>> -> memref<64x128xf32, #tpu.memory_space<vmem>>
    %dma_wait3A_178 = arith.constant 0 : i32
    %dma_wait3A_179 = tpu.memref_slice %arg4[%add3A_134, %dma_wait3A_178] : memref<8192x128xf32, #tpu.memory_space<hbm>> -> memref<64x128xf32, #tpu.memory_space<hbm>>
    %dma_wait3A_180 = arith.constant 0 : i32
    %dma_wait3A_181 = tpu.memref_slice %arg4[%add3A_134, %dma_wait3A_180] : memref<8192x128xf32, #tpu.memory_space<hbm>> -> memref<64x128xf32, #tpu.memory_space<hbm>>
    %dma_wait3A_182 = arith.constant 192 : i32
    %dma_wait3A_183 = arith.constant 0 : i32
    %dma_wait3A_184 = tpu.memref_slice %arg6[%dma_wait3A_182, %dma_wait3A_183] : memref<256x128xf32, #tpu.memory_space<vmem>> -> memref<64x128xf32, #tpu.memory_space<vmem>>
    tpu.wait_dma2 semaphore(%arg8 : memref<!tpu.dma_semaphore, #tpu.memory_space<semaphore_mem>>) src(%dma_wait3A_184 : memref<64x128xf32, #tpu.memory_space<vmem>>) dst(%dma_wait3A_181 : memref<64x128xf32, #tpu.memory_space<hbm>>)
    return
  }
}

module attributes {stable_mosaic.version = 14 : i64} {
  func.func @mm(%arg0: i32, %arg1: memref<1024x128xf32, #tpu.memory_space<vmem>>, %arg2: memref<2048x128xbf16, #tpu.memory_space<vmem>>, %arg3: memref<1024x2048xf32, #tpu.memory_space<vmem>>) attributes {dimension_semantics = [#tpu.dimension_semantics<parallel>], iteration_bounds = array<i64: 8>, scalar_prefetch = 0 : i64, scratch_operands = 0 : i64, tpu.core_type = #tpu.core_type<tc>, window_params = [{transform_indices = @transform_0, window_bounds = array<i64: 1024, 128>}, {pipeline_mode = #tpu.pipeline_mode<synchronous>, transform_indices = @transform_1, window_bounds = array<i64: 2048, 128>}, {transform_indices = @transform_2, window_bounds = array<i64: 1024, 2048>}]} {
    %get3A = arith.constant 0 : index
    %get3A_0 = arith.constant 0 : index
    %get3A_1 = vector.load %arg1[%get3A, %get3A_0] : memref<1024x128xf32, #tpu.memory_space<vmem>>, vector<1024x128xf32>
    %convert_element_type3A = arith.truncf %get3A_1 : vector<1024x128xf32> to vector<1024x128xbf16>
    %get3A_2 = arith.constant 0 : index
    %get3A_3 = arith.constant 0 : index
    %get3A_4 = vector.load %arg2[%get3A_2, %get3A_3] : memref<2048x128xbf16, #tpu.memory_space<vmem>>, vector<2048x128xbf16>
    %dot_general3A = arith.constant dense<0.000000e+00> : vector<1024x2048xf32>
    %dot_general3A_5 = tpu.matmul %convert_element_type3A, %get3A_4, %dot_general3A {dimension_numbers = #tpu.dot_dimension_numbers<[1], [1], [0], [0], [0, 0, 1, 0], [], []>, transpose_lhs_hint = false} : vector<1024x128xbf16>, vector<2048x128xbf16>, vector<1024x2048xf32> -> vector<1024x2048xf32>
    %swap3A = arith.constant 0 : index
    %swap3A_6 = arith.constant 0 : index
    %swap3A_7 = vector.load %arg3[%swap3A, %swap3A_6] : memref<1024x2048xf32, #tpu.memory_space<vmem>>, vector<1024x2048xf32>
    tpu.vector_store %arg3[%swap3A, %swap3A_6], %dot_general3A_5 {strides = array<i32>} : memref<1024x2048xf32, #tpu.memory_space<vmem>>, vector<1024x2048xf32>,
    return
  }
  func.func @transform_0(%arg0: i32) -> (i32, i32) {
    %c0_i32 = arith.constant 0 : i32
    %c0_i32_0 = arith.constant 0 : i32
    return %arg0, %c0_i32 : i32, i32
  }
  func.func @transform_1(%arg0: i32) -> (i32, i32) {
    %c0_i32 = arith.constant 0 : i32
    %c0_i32_0 = arith.constant 0 : i32
    %c0_i32_1 = arith.constant 0 : i32
    return %c0_i32, %c0_i32_0 : i32, i32
  }
  func.func @transform_2(%arg0: i32) -> (i32, i32) {
    %c0_i32 = arith.constant 0 : i32
    %c0_i32_0 = arith.constant 0 : i32
    return %arg0, %c0_i32 : i32, i32
  }
}

</mosaic_0001>

<sc_bundles>
// kernel: kernel.4.cloned.1.call-start
scs
__scs_entry_jumppad:
0x0: {  	(pc) =	sbr.rel $0x88, $3  }
0x1: {  	(tag) =	ssettag $0x0;
	lr =	simm.s32 $0x1  }
0x2: {  	[smem:$0x3F9E] =	sst lr;
	_ =	strace $0xD0000000  }
0x3: {  	_ = 	snop  }
0x4: {  	_ = 	snop  }
0x5: {  	_ = 	snop  }
0x6: {  	_ = 	snop  }
0x7: {  	_ = 	snop  }
__scs_overlays_trampoline_lowered:
0x8: {  	[smem:$0x3FAD] =	sst s0  }
0x9: {  	[smem:$0x3FAE] =	sst s1  }
0xa: {  	[smem:$0x3FAF] =	sst s2  }
0xb: {  	[smem:$0x3FB0] =	sst s3  }
0xc: {  	[smem:$0x3FB1] =	sst s4  }
0xd: {  	[smem:$0x3FB2] =	sst s5  }
0xe: {  	[smem:$0x3FB3] =	sst s6  }
0xf: {  	[smem:$0x3FB4] =	sst s7  }
0x10: {  	[smem:$0x3FB5] =	sst s8  }
0x11: {  	[smem:$0x3FB6] =	sst s9;
	s0 =	simm.s32 @!p0 $0x0  }
0x12: {  	s1 =	sld [smem:$0x3F9C];
	s0 =	simm.s32 @p0 $0x1  }
0x13: {  	[smem:$0x3FB7] =	sst s0;
	s0 =	simm.s32 @!p1 $0x0  }
0x14: {  	s2 =	sld [smem:$0x3F9B];
	s0 =	simm.s32 @p1 $0x1  }
0x15: {  	[smem:$0x3FB8] =	sst s0;
	s0 =	simm.s32 @!p2 $0x0  }
0x16: {  	s3 =	sld [smem:$0x3FDB];
	s0 =	simm.s32 @p2 $0x1  }
0x17: {  	s4 =	simm.s32 $0x1BF5;
	[smem:$0x3FBA] =	sst s0  }
0x18: {  	s0 =	sld [smem:$0x3F9D];
	_ =	swait.ge [sflag:s4], $0x0  }
0x19: {  	s7 =	sld [smem:$0x3F9E]  }
0x1a: {  	s8 =	sadd.s32 $0xFFFFE003, lr  }
0x1b: {  	s9 =	sadd.s32 $0xFFFFFEF7, lr;
	s5 =	simm.s32 $0xFFFFFFFF;
	p2 =	slt.u32 s8, $0xFFFFF086  }
0x1c: {  	p1 =	slt.u32 s9, $0xF7A;
	s5 =	simm.s32 @!p2 $0x0  }
0x1d: {  	s5 =	simm.s32 @p1 $0x1;
	p0 =	seq.s32 s7, s2  }
0x1e: {  	s7 =	smul.u32 @!p0 $0xF7A, s2;
	p2 =	seq.s32 @!p0 s5, $0x0  }
0x1f: {  	s9 =	smul.u32 $0xF7A, s1;
	s8 =	simm.s32 @!p0 $0x1BF5;
	p2 =	por !p2, p0  }
0x20: {  	[sflag:s8] =	ssyncset.s32 @!p0 $0xFFFFF086;
	s6 =	sadd.s32 @!p0 s3, s7;
	s7 =	simm.s32 @!p0 $0x108  }
0x21: {  	s3 =	sadd.s32 s3, s9;
	s6 =	sadd.s32 @!p0 $0x88, s6;
	s7 =	simm.s32 @p2 $0x1082  }
0x22: {  	[simem:s7], [sflag:s8] =	dma.local @!p0 [hbm:s6], $0xF7A  }
0x23: {  	s9 =	sor.u32 $0xD0000000, s2;
	s6 =	simm.s32 $0x108;
	_ =	swait.ge @!p0 [sflag:s8], $0x0  }
0x24: {  	s3 =	sadd.s32 $0x88, s3;
	s6 =	simm.s32 @!p1 $0x1082;
	[sflag:s4] =	ssyncset.s32 $0xFFFFF086  }
0x25: {  	[simem:s6], [sflag:s4] =	dma.local [hbm:s3], $0xF7A  }
0x26: {  	[smem:$0x3F9E] =	sst s1;
	(tag) =	ssettag s2;
	_ =	strace s9  }
0x27: {  	s1 =	sld [smem:$0x3FAE]  }
0x28: {  	s2 =	sld [smem:$0x3FAF]  }
0x29: {  	s4 =	sld [smem:$0x3FB1]  }
0x2a: {  	p0 =	seq.s32 s5, $0x0;
	s5 =	sld [smem:$0x3FB2]  }
0x2b: {  	s6 =	sld [smem:$0x3FB3]  }
0x2c: {  	s7 =	sld [smem:$0x3FB4]  }
0x2d: {  	s3 =	simm.s32 $0x108;
	s8 =	sld [smem:$0x3FB5]  }
0x2e: {  	s3 =	simm.s32 @!p0 $0x1082;
	s9 =	sld [smem:$0x3FB6]  }
0x2f: {  	lr =	sadd.s32 s0, s3;
	s0 =	sld [smem:$0x3FAD]  }
0x30: {  	s3 =	sld [smem:$0x3FB0]  }
0x31: {  	[smem:$0x3FB9] =	sst s10  }
0x32: {  	s10 =	sld [smem:$0x3FB7];
	_ =	sdelay $0x3  }
0x33: {  	p0 =	seq.s32 s10, $0x1;
	s10 =	sld [smem:$0x3FB9];
	_ =	sdelay $0x3  }
0x34: {  	[smem:$0x3FB9] =	sst s10  }
0x35: {  	s10 =	sld [smem:$0x3FB8];
	_ =	sdelay $0x3  }
0x36: {  	p1 =	seq.s32 s10, $0x1;
	s10 =	sld [smem:$0x3FB9];
	_ =	sdelay $0x3  }
0x37: {  	[smem:$0x3FB9] =	sst s10  }
0x38: {  	s10 =	sld [smem:$0x3FBA]  }
0x39: {  	_ = 	snop;
	(pc) =	sbr.ind lr, $3  }
0x3a: {  	_ = 	snop  }
0x3b: {  	_ = 	snop  }
0x3c: {  	p2 =	seq.s32 s10, $0x1;
	s10 =	sld [smem:$0x3FB9]  }
0x3d: {  	_ =	shalt  }
0x3e: {  	_ =	shalt  }
0x3f: {  	_ =	shalt  }
0x40: {  	_ =	shalt  }
0x41: {  	_ =	shalt  }
0x42: {  	_ =	shalt  }
0x43: {  	_ =	shalt  }
0x44: {  	_ =	shalt  }
0x45: {  	_ =	shalt  }
0x46: {  	_ =	shalt  }
0x47: {  	_ =	shalt  }
0x48: {  	_ =	shalt  }
0x49: {  	_ =	shalt  }
0x4a: {  	_ =	shalt  }
0x4b: {  	_ =	shalt  }
0x4c: {  	_ =	shalt  }
0x4d: {  	_ =	shalt  }
0x4e: {  	_ =	shalt  }
0x4f: {  	_ =	shalt  }
0x50: {  	_ =	shalt  }
0x51: {  	_ =	shalt  }
0x52: {  	_ =	shalt  }
0x53: {  	_ =	shalt  }
0x54: {  	_ =	shalt  }
0x55: {  	_ =	shalt  }
0x56: {  	_ =	shalt  }
0x57: {  	_ =	shalt  }
0x58: {  	_ =	shalt  }
0x59: {  	_ =	shalt  }
0x5a: {  	_ =	shalt  }
0x5b: {  	_ =	shalt  }
0x5c: {  	_ =	shalt  }
0x5d: {  	_ =	shalt  }
0x5e: {  	_ =	shalt  }
0x5f: {  	_ =	shalt  }
0x60: {  	_ =	shalt  }
0x61: {  	_ =	shalt  }
0x62: {  	_ =	shalt  }
0x63: {  	_ =	shalt  }
0x64: {  	_ =	shalt  }
0x65: {  	_ =	shalt  }
0x66: {  	_ =	shalt  }
0x67: {  	_ =	shalt  }
0x68: {  	_ =	shalt  }
0x69: {  	_ =	shalt  }
0x6a: {  	_ =	shalt  }
0x6b: {  	_ =	shalt  }
0x6c: {  	_ =	shalt  }
0x6d: {  	_ =	shalt  }
0x6e: {  	_ =	shalt  }
0x6f: {  	_ =	shalt  }
0x70: {  	_ =	shalt  }
0x71: {  	_ =	shalt  }
0x72: {  	_ =	shalt  }
0x73: {  	_ =	shalt  }
0x74: {  	_ =	shalt  }
0x75: {  	_ =	shalt  }
0x76: {  	_ =	shalt  }
0x77: {  	_ =	shalt  }
0x78: {  	_ =	shalt  }
0x79: {  	_ =	shalt  }
0x7a: {  	_ =	shalt  }
0x7b: {  	_ =	shalt  }
0x7c: {  	_ =	shalt  }
0x7d: {  	_ =	shalt  }
0x7e: {  	_ =	shalt  }
0x7f: {  	_ =	shalt  }
0x80: {  	_ =	shalt  }
0x81: {  	_ =	shalt  }
0x82: {  	_ =	shalt  }
0x83: {  	_ =	shalt  }
0x84: {  	_ =	shalt  }
0x85: {  	_ =	shalt  }
0x86: {  	_ =	shalt  }
0x87: {  	_ =	shalt  }
.Lfunc_end0:
.L_simem_size_0:
called_computation_lowered:
.L_overlay_start_0:
0x88: {  	s2 =	sld [smem:$0x3FD9]  }
0x89: {  	s3 =	sld [smem:$0x3FFE];
	_ =	sdelay $0x1  }
0x8a: {  	s1 =	srdreg.scid  }
0x8b: {  	s0 =	sand.u32 $0x1, s1  }
0x8c: {  	s18 =	sshll.u32 s0, $0xA;
	s2 =	sadd.s32 s3, s2  }
0x8d: {  	s2 =	sadd.s32 s2, s18  }
0x8e: {  	[smem:$0x3FC5] =	sst s2  }
0x8f: {  	_ = 	snop  }
0x90: {  	s2 =	sld [smem:$0x3FC9]  }
0x91: {  	s19 =	sld [smem:$0x3FC8]  }
0x92: {  	s4 =	sld [smem:$0x3FD0];
	(tm) =	ssettm $0x1  }
0x93: {  	s5 =	sld [smem:$0x3FFB];
	_ =	sdelay $0x3  }
0x94: {  	_ =	strace s5  }
0x95: {  	s5 =	sld [smem:$0x3FFC];
	_ =	sdelay $0x3  }
0x96: {  	_ =	strace s5  }
0x97: {  	s5 =	sld [smem:$0x3FFD];
	_ =	sdelay $0x3  }
0x98: {  	_ =	strace s5  }
0x99: {  	_ =	strace $0x8FFFFFFF  }
0x9a: {  	s20 =	sld [smem:$0x3FDB];
	_ =	sdelay $0x1  }
0x9b: {  	s6 =	simm.s32 $_scs_section_size  }
0x9c: {  	s7 =	simm.s32 $_size__tile_overlayer_lowered;
	s8 =	simm.s32 $_tile_overlayer_lowered  }
0x9d: {  	s23 =	simm.s32 $0x1BFF;
	s22 =	sshll.u32 s8, $0x1;
	s5 =	sadd.s32 s6, s20  }
0x9e: {  	s9 =	simm.s32 $0x0;
	s21 =	sshll.u32 s7, $0x1;
	s7 =	sadd.s32 s22, s5  }
0x9f: {  	[timem:s9], [sflag:s23] =	dma.local [hbm:s7], s21  }
0xa0: {  	_ =	swait.ge [sflag:s23], s21  }
0xa1: {  	s6 =	ssub.s32 $0x0, s21;
	[sflag:s23] =	ssyncset.done $0x0  }
0xa2: {  	[sflag:s23] =	ssyncadd.s32 s6;
	_ =	sdelay $0x1  }
0xa3: {  	s24 =	simm.s32 $0x1B8B  }
0xa4: {  	_ =	swait.ge [sflag:s24], $0x1  }
0xa5: {  	[sflag:s24] =	ssyncset.done $0x0  }
0xa6: {  	s25 =	simm.s32 $0x1B8E;
	[sflag:s24] =	ssyncadd.s32 $0xFFFFFFFF  }
0xa7: {  	s26 =	simm.s32 $execute0_lowered;
	[smem:$0x3FD2] =	sst s25  }
0xa8: {  	s6 =	sshll.u32 s26, $0x1;
	_ =	strace $0x80000046;
	[dreg:$0x1] =	wrdreg $0xFFFFFFFF  }
0xa9: {  	s28 =	simm.s32 $_size_execute0_lowered;
	s5 =	sadd.s32 s5, s6;
	[dreg:$0x0] =	wrdreg $0x0  }
0xaa: {  	s6 =	sshll.u32 s28, $0x1;
	[dreg:$0x2] =	wrdreg s5  }
0xab: {  	[dreg:$0x3] =	wrdreg s6  }
0xac: {  	[dreg:$0x4] =	wrdreg $0xC0  }
0xad: {  	_ =	task [dreg:s9], $0x5FFFF  }
0xae: {  	[dreg:$0x1] =	wrdreg $0xFFFFFFFF  }
0xaf: {  	[dreg:$0x0] =	wrdreg $0x60  }
0xb0: {  	[dreg:$0x2] =	wrdreg s19  }
0xb1: {  	[dreg:$0x3] =	wrdreg s2  }
0xb2: {  	[dreg:$0x4] =	wrdreg s4  }
0xb3: {  	[dreg:$0x5] =	wrdreg $0x9  }
0xb4: {  	_ =	task.clear_ibuf [dreg:s9], $0x6FFFF;
	_ =	strace $0x90000046  }
0xb5: {  	s29 =	simm.s32 $0x9;
	_ =	strace $0x80000048  }
0xb6: {  	_ =	swait.ge [sflag:s29], $0x1  }
0xb7: {  	[sflag:s29] =	ssyncadd.s32 $0xFFFFFFFF  }
0xb8: {  	_ =	strace $0x90000048  }
0xb9: {  	_ =	sfence  }
0xba: {  	s30 =	sld [smem:$0x0];
	_ =	sdelay $0x2  }
0xbb: {  	s31 =	sshll.u32 s1, $0xD;
	s1 =	sshrl.u32 s1, $0x2  }
0xbc: {  	s3 =	sand.u32 $0x4000, s31;
	s1 =	sadd.s32 s1, s30  }
0xbd: {  	s0 =	sor.u32 s3, s0;
	s1 =	sshll.u32 s1, $0x11  }
0xbe: {  	s0 =	sor.u32 s1, s0  }
0xbf: {  	s0 =	sadd.s32 $0x8F2B, s0  }
0xc0: {  	[sflag:s0] =	ssyncadd.remote.s32 $0x1  }
0xc1: {  	_ =	sfence.sel $0xFFFF  }
0xc2: {  	[dreg:$0x0] =	wrdreg $0xFFFFFFFF;
	(pc) =	sbr.abs _section_cstart, $3  }
0xc3: {  	[dreg:$0x1] =	wrdreg $0xFFFFFFFF  }
0xc4: {  	_ =	task.clear_ibuf [dreg:s9], $0x2FFFF;
	_ =	strace $0x9FFFFFFF  }
0xc5: {  	(tm) =	ssettm $0x7FFFFFFF  }
tec
execute0_lowered:
.L_overlay_start_1:
0x0: {  	(tag) =	ssettag $0x1  }
0x1: {  	s2 =	rddreg [dreg:$0x0]  }
0x2: {  	s4 =	rddreg [dreg:$0x1];
	s1 =	srdreg.scid  }
0x3: {  	s0 =	stileid.u32;
	s15 =	rddreg [dreg:$0x2];
	s7 =	simm.s32 $0x3  }
0x4: {  	s20 =	sand.u32 $0x1, s1;
	s3 =	sshll.u32 s0, $0x1;
	s1 =	rddreg [dreg:$0x3]  }
0x5: {  	s5 =	sshll.u32 s0, $0x2;
	s16 =	sor.u32 s20, s3;
	s3 =	simm.s32 $0x0  }
0x6: {  	s5 =	sand.u32 $0x30, s5;
	s6 =	sshll.u32 s16, $0x7;
	[smem:$0x7FF] =	sst s3  }
0x7: {  	s4 =	sadd.s32 s4, s5;
	s5 =	simm.s32 $0x80;
	s6 =	sand.u32 $0x380, s6  }
0x8: {  	_ =	strace $0x80000047;
	s4 =	sadd.s32 s6, s4;
	s6 =	simm.s32 $0x200  }
0x9: {  	[tilespmem:s3], [sflag:$0x3] =	stream.strided.gather [hbm4b:s4+s5], $0x100, s6, s5, $0x38;
	[tilespmem:$0x8100] =	vst v63  }
0xa: {  	_ =	swait.ge [sflag:s7], $0x100  }
0xb: {  	[sflag:s7] =	ssyncset.done $0x0  }
0xc: {  	s8 =	simm.s32 $0x40;
	s9 =	simm.s32 $0x100;
	[sflag:s7] =	ssyncadd.s32 $0xFFFFFF00  }
0xd: {  	[tilespmem:s9], [sflag:$0x1] =	stream.indirect.gather [hbm4b:s2+s8], $0x80, s3, s8, $0xb8;
	[tilespmem:$0x8100] =	vst v63  }
0xe: {  	s10 =	simm.s32 $0x2100  }
0xf: {  	[tilespmem:s10], [sflag:$0x1] =	stream.indirect.gather [hbm4b:s2+s8], $0x80, s8, s8, $0xb8;
	[tilespmem:$0x8100] =	vst v63  }
0x10: {  	s11 =	simm.s32 $0x4100  }
0x11: {  	[tilespmem:s11], [sflag:$0x1] =	stream.indirect.gather [hbm4b:s2+s8], $0x80, s5, s8, $0xb8;
	[tilespmem:$0x8100] =	vst v63  }
0x12: {  	s12 =	simm.s32 $0xC0;
	s13 =	simm.s32 $0x6100;
	s14 =	simm.s32 $0x1  }
0x13: {  	[tilespmem:s13], [sflag:$0x1] =	stream.indirect.gather [hbm4b:s2+s8], $0x80, s12, s8, $0xb8;
	[tilespmem:$0x8100] =	vst v63  }
0x14: {  	_ =	swait.ge [sflag:s14], $0x2000  }
0x15: {  	s16 =	sshll.u32 s16, $0xC;
	[sflag:s14] =	ssyncset.done $0x0  }
0x16: {  	s15 =	sadd.s32 s15, s16;
	[sflag:s14] =	ssyncadd.s32 $0xFFFFE000  }
0x17: {  	[hbm4b:s15+s3] =	stream.linear.scatter [tilespmem:s9], [sflag:$0x2], $0x2000, $0x38;
	[tilespmem:$0x8100] =	vst v63  }
0x18: {  	_ =	swait.ge [sflag:s14], $0x2000  }
0x19: {  	[sflag:s14] =	ssyncset.done $0x0  }
0x1a: {  	s16 =	sadd.s32 $0x400, s15;
	[sflag:s14] =	ssyncadd.s32 $0xFFFFE000  }
0x1b: {  	[hbm4b:s16+s3] =	stream.linear.scatter [tilespmem:s10], [sflag:$0x2], $0x2000, $0x38;
	[tilespmem:$0x8100] =	vst v63  }
0x1c: {  	_ =	swait.ge [sflag:s14], $0x2000  }
0x1d: {  	[sflag:s14] =	ssyncset.done $0x0  }
0x1e: {  	s17 =	sadd.s32 $0x800, s15;
	[sflag:s14] =	ssyncadd.s32 $0xFFFFE000  }
0x1f: {  	[hbm4b:s17+s3] =	stream.linear.scatter [tilespmem:s11], [sflag:$0x2], $0x2000, $0x38;
	[tilespmem:$0x8100] =	vst v63  }
0x20: {  	_ =	swait.ge [sflag:s14], $0x2000  }
0x21: {  	[sflag:s14] =	ssyncset.done $0x0  }
0x22: {  	s18 =	simm.s32 $0x2;
	s19 =	sadd.s32 $0xC00, s15;
	[sflag:s14] =	ssyncadd.s32 $0xFFFFE000  }
0x23: {  	[hbm4b:s19+s3] =	stream.linear.scatter [tilespmem:s13], [sflag:$0x2], $0x2000, $0x38;
	[tilespmem:$0x8100] =	vst v63  }
0x24: {  	_ =	swait.ge [sflag:s18], $0x2000  }
0x25: {  	s20 =	ssub.s32 $0x2, s20;
	[sflag:s18] =	ssyncset.done $0x0  }
0x26: {  	s21 =	sshrl.u32 s20, $0x1;
	[sflag:s18] =	ssyncadd.s32 $0xFFFFE000  }
0x27: {  	s20 =	ssub.s32 s20, s21;
	_ =	swait.ge [sflag:s18], $0x2000  }
0x28: {  	s20 =	smax.u32 s20, $0x1;
	[sflag:s18] =	ssyncset.done $0x0  }
0x29: {  	p0 =	sne.s32 s20, $0x1;
	[sflag:s18] =	ssyncadd.s32 $0xFFFFE000  }
.Ltmp0:
0x2a: {  	_ =	swait.ge [sflag:s18], $0x2000;
	(pc) =	sbr.rel @!p0 .LBB2_2-.Ltmp0, $4  }
0x2b: {  	[sflag:s18] =	ssyncset.done $0x0  }
0x2c: {  	[sflag:s18] =	ssyncadd.s32 $0xFFFFE000  }
0x2d: {  	_ =	swait.ge [sflag:s18], $0x2000  }
0x2e: {  	s20 =	sadd.s32 $0xFFFFFFFF, s20;
	[sflag:s18] =	ssyncset.done $0x0  }
.LBB2_1:
0x2f: {  	p0 =	sne.s32 s20, $0x1;
	s20 =	sadd.s32 $0xFFFFFFFF, s20;
	[sflag:s18] =	ssyncadd.s32 $0xFFFFE000  }
0x30: {  	[tilespmem:s3], [sflag:$0x3] =	stream.strided.gather [hbm4b:s4+s5], $0x100, s6, s5, $0x38;
	[tilespmem:$0x8100] =	vst v63  }
0x31: {  	_ =	swait.ge [sflag:s7], $0x100  }
0x32: {  	[sflag:s7] =	ssyncset.done $0x0  }
0x33: {  	[sflag:s7] =	ssyncadd.s32 $0xFFFFFF00  }
0x34: {  	[tilespmem:s9], [sflag:$0x1] =	stream.indirect.gather [hbm4b:s2+s8], $0x80, s3, s8, $0xb8;
	[tilespmem:$0x8100] =	vst v63  }
0x35: {  	_ = 	snop  }
0x36: {  	[tilespmem:s10], [sflag:$0x1] =	stream.indirect.gather [hbm4b:s2+s8], $0x80, s8, s8, $0xb8;
	[tilespmem:$0x8100] =	vst v63  }
0x37: {  	_ = 	snop  }
0x38: {  	[tilespmem:s11], [sflag:$0x1] =	stream.indirect.gather [hbm4b:s2+s8], $0x80, s5, s8, $0xb8;
	[tilespmem:$0x8100] =	vst v63  }
0x39: {  	_ = 	snop  }
0x3a: {  	[tilespmem:s13], [sflag:$0x1] =	stream.indirect.gather [hbm4b:s2+s8], $0x80, s12, s8, $0xb8;
	[tilespmem:$0x8100] =	vst v63  }
0x3b: {  	_ =	swait.ge [sflag:s14], $0x2000  }
0x3c: {  	[sflag:s14] =	ssyncset.done $0x0  }
0x3d: {  	[sflag:s14] =	ssyncadd.s32 $0xFFFFE000  }
0x3e: {  	[hbm4b:s15+s3] =	stream.linear.scatter [tilespmem:s9], [sflag:$0x2], $0x2000, $0x38;
	[tilespmem:$0x8100] =	vst v63  }
0x3f: {  	_ =	swait.ge [sflag:s14], $0x2000  }
0x40: {  	[sflag:s14] =	ssyncset.done $0x0  }
0x41: {  	[sflag:s14] =	ssyncadd.s32 $0xFFFFE000  }
0x42: {  	[hbm4b:s16+s3] =	stream.linear.scatter [tilespmem:s10], [sflag:$0x2], $0x2000, $0x38;
	[tilespmem:$0x8100] =	vst v63  }
0x43: {  	_ =	swait.ge [sflag:s14], $0x2000  }
0x44: {  	[sflag:s14] =	ssyncset.done $0x0  }
0x45: {  	[sflag:s14] =	ssyncadd.s32 $0xFFFFE000  }
0x46: {  	[hbm4b:s17+s3] =	stream.linear.scatter [tilespmem:s11], [sflag:$0x2], $0x2000, $0x38;
	[tilespmem:$0x8100] =	vst v63  }
0x47: {  	_ =	swait.ge [sflag:s14], $0x2000  }
0x48: {  	[sflag:s14] =	ssyncset.done $0x0  }
0x49: {  	[sflag:s14] =	ssyncadd.s32 $0xFFFFE000  }
0x4a: {  	[hbm4b:s19+s3] =	stream.linear.scatter [tilespmem:s13], [sflag:$0x2], $0x2000, $0x38;
	[tilespmem:$0x8100] =	vst v63  }
0x4b: {  	_ =	swait.ge [sflag:s18], $0x2000  }
0x4c: {  	[sflag:s18] =	ssyncset.done $0x0  }
0x4d: {  	[sflag:s18] =	ssyncadd.s32 $0xFFFFE000  }
0x4e: {  	_ =	swait.ge [sflag:s18], $0x2000  }
0x4f: {  	[sflag:s18] =	ssyncset.done $0x0  }
0x50: {  	[sflag:s18] =	ssyncadd.s32 $0xFFFFE000  }
.Ltmp1:
0x51: {  	_ =	swait.ge [sflag:s18], $0x2000;
	(pc) =	sbr.rel @p0 .LBB2_1-.Ltmp1, $4  }
0x52: {  	[sflag:s18] =	ssyncset.done $0x0  }
0x53: {  	[sflag:s18] =	ssyncadd.s32 $0xFFFFE000  }
0x54: {  	_ =	swait.ge [sflag:s18], $0x2000  }
0x55: {  	[sflag:s18] =	ssyncset.done $0x0  }
.LBB2_2:
0x56: {  	[sflag:s18] =	ssyncadd.s32 $0xFFFFE000  }
0x57: {  	_ =	sfence.sel $0x180000  }
0x58: {  	[bflag:$0x0] =	sbarrier.arrive $0xFFFF  }
0x59: {  	p0 =	sne.s32 s0, $0x0;
	_ =	strace $0x90000047  }
0x5a: {  	s0 =	sadd.s32 @!p0 $0x100000, s1;
	[bflag:$0x2] =	sbarrier.arrive $0xFFFF  }
0x5b: {  	[sflag:s0] =	ssyncadd.tile.s32 @!p0 $0x1;
	_ =	shalt  }
.Lfunc_end2:
_tile_overlayer_lowered:
.L_overlay_start_2:
0x5c: {  	(tag) =	ssettag $0x2  }
0x5d: {  	s0 =	rddreg [dreg:$0x0];
	s2 =	stileid.u32  }
0x5e: {  	s1 =	rddreg [dreg:$0x1];
	p0 =	sne.s32 s2, $0x0  }
0x5f: {  	s3 =	rddreg [dreg:$0x2];
	[bflag:$0x3] =	sbarrier.arrive $0xFFFF;
	s2 =	simm.s32 @!p0 $0x1C03  }
0x60: {  	[timem:s3], [sflag:s2] =	dma.local @!p0 [hbm:s0], s1  }
0x61: {  	s0 =	simm.s32 @!p0 $0x3  }
0x62: {  	_ =	swait.ge @!p0 [sflag:s0], s1  }
0x63: {  	s1 =	ssub.s32 @!p0 $0x0, s1;
	[sflag:s0] =	ssyncset.done @!p0 $0x0  }
0x64: {  	[sflag:s0] =	ssyncadd.s32 @!p0 s1  }
0x65: {  	[bflag:$0x3] =	sbarrier.arrive $0xFFFF  }
0x66: {  	_ =	shalt  }

</sc_bundles>
